<compile_context>
chip_gen: v7x
topology: tpu7x:2x2x1
jax: 0.10.2.dev20260603
libtpu: 0.0.44.dev20260713+nightly
codegen_flags: <defaults>
</compile_context>

<pallas_src>
import functools

import jax
import jax.numpy as jnp
from jax.experimental import pallas as pl
from jax.experimental.pallas import tpu as pltpu
from jax.experimental.pallas import tpu_sc as plsc
K = 8192
D = 256
N = 8192
BETA = 0.25

TILE_N = 512

_SC_CORES = 2
_SC_SUBCORES = 16
_SC_WORKERS = _SC_CORES * _SC_SUBCORES


def _dist_argmin_kernel(x_ref, ebt_ref, b_ref, idx_ref, lsum_ref):
    x = x_ref[...]
    a = jnp.sum(x ** 2, axis=1, keepdims=True)
    mm = jax.lax.dot_general(
        x.astype(jnp.bfloat16), ebt_ref[...], (((1,), (0,)), ((), ())),
        preferred_element_type=jnp.float32)
    d = (a + b_ref[...]) - 2.0 * mm
    m = jnp.min(d, axis=1, keepdims=True)
    cols = jax.lax.broadcasted_iota(jnp.int32, d.shape, 1)
    idx = jnp.min(jnp.where(d == m, cols, K), axis=1, keepdims=True)
    idx_ref[...] = idx

    @pl.when(pl.program_id(0) == 0)
    def _():
        lsum_ref[...] = jnp.zeros_like(lsum_ref)

    lsum_ref[...] = lsum_ref[...] + jnp.sum(m).reshape(1, 1)


def _tc_dist_argmin(xb, ebt, b):
    n_loc = xb.shape[0]
    return pl.pallas_call(
        _dist_argmin_kernel,
        grid=(n_loc // TILE_N,),
        in_specs=[
            pl.BlockSpec((TILE_N, D), lambda i: (i, 0)),
            pl.BlockSpec((D, K), lambda i: (0, 0)),
            pl.BlockSpec((1, K), lambda i: (0, 0)),
        ],
        out_specs=[
            pl.BlockSpec((TILE_N, 1), lambda i: (i, 0)),
            pl.BlockSpec((1, 1), lambda i: (0, 0)),
        ],
        out_shape=[
            jax.ShapeDtypeStruct((n_loc, 1), jnp.int32),
            jax.ShapeDtypeStruct((1, 1), jnp.float32),
        ],
    )(xb, ebt, b)


def _sc_gather(qdata, idx1d):
    n_loc = idx1d.shape[0]
    rows_per_worker = n_loc // _SC_WORKERS
    mesh = plsc.VectorSubcoreMesh(
        core_axis_name="c", subcore_axis_name="s",
        num_cores=_SC_CORES, num_subcores=_SC_SUBCORES)

    @functools.partial(
        pl.kernel,
        out_type=jax.ShapeDtypeStruct((n_loc, D), jnp.float32),
        mesh=mesh,
        scratch_types=[
            pltpu.VMEM((rows_per_worker,), jnp.int32),
            pltpu.VMEM((rows_per_worker, D), jnp.float32),
            pltpu.SemaphoreType.DMA,
        ],
    )
    def gather_kernel(table_hbm, idx_hbm, out_hbm, idx_v, rows_v, sem):
        wid = jax.lax.axis_index("s") * _SC_CORES + jax.lax.axis_index("c")
        base = wid * rows_per_worker
        pltpu.sync_copy(idx_hbm.at[pl.ds(base, rows_per_worker)], idx_v)
        pltpu.async_copy(table_hbm.at[idx_v], rows_v, sem).wait()
        pltpu.sync_copy(rows_v, out_hbm.at[pl.ds(base, rows_per_worker)])

    return gather_kernel(qdata, idx1d)


def kernel(latents, embedding_weight):
    x = jnp.transpose(latents, (0, 2, 3, 1))
    lat_shape = x.shape
    flat = x.reshape(-1, D)
    n_loc = flat.shape[0]

    b = jnp.sum(embedding_weight ** 2, axis=1)[None, :]
    ebt = embedding_weight.astype(jnp.bfloat16).T

    idx, lsum = _tc_dist_argmin(flat, ebt, b)

    qraw = _sc_gather(embedding_weight, idx.reshape(n_loc))
    q = qraw.astype(jnp.bfloat16).astype(jnp.float32)

    quantized_st = flat + jax.lax.stop_gradient(q - flat)
    out = jnp.transpose(quantized_st.reshape(lat_shape), (0, 3, 1, 2))
    loss = (lsum / jnp.float32(N * D)).reshape(())
    return (out, loss, BETA * loss)

# --- scband reference (transcript-rebuilt; emitter-appended) ---
"""Pipeline reference for scband-vector-quantizer-54511724921598 (READ-ONLY COPY).

The authoritative reference and input builder live on the scoring server;
editing this copy changes nothing except your own understanding.
"""

import jax, jax.numpy as jnp
import numpy as np

K = 8192
D = 256
BETA = 0.25


def setup_inputs(seed: int = 0) -> dict:
    key = jax.random.key(seed)
    k1, k2 = jax.random.split(key)
    latents = jax.random.normal(k1, (8, 256, 32, 32), dtype=jnp.float32)
    embedding_weight = jax.random.uniform(k2, (K, D), dtype=jnp.float32, minval=-1.0 / K, maxval=1.0 / K)
    return {"latents": latents, "embedding_weight": embedding_weight}


def reference(latents, embedding_weight):
    # [B, C, H, W] -> [B, H, W, C]
    x = jnp.transpose(latents, (0, 2, 3, 1))
    latents_shape = x.shape
    flat = x.reshape(-1, D)
    # squared L2 distance to every codebook vector
    dist = (jnp.sum(flat ** 2, axis=1, keepdims=True)
            + jnp.sum(embedding_weight ** 2, axis=1)
            - 2.0 * jnp.matmul(flat, embedding_weight.T))
    encoding_inds = jnp.argmin(dist, axis=1)
    encoding_one_hot = jax.nn.one_hot(encoding_inds, K, dtype=flat.dtype)
    quantized = jnp.matmul(encoding_one_hot, embedding_weight)
    quantized = quantized.reshape(latents_shape)
    commitment_loss = jnp.mean((jax.lax.stop_gradient(quantized) - x) ** 2)
    embedding_loss = jnp.mean((quantized - jax.lax.stop_gradient(x)) ** 2)
    # straight-through estimator
    quantized_st = x + jax.lax.stop_gradient(quantized - x)
    out = jnp.transpose(quantized_st, (0, 3, 1, 2))
    return (out, embedding_loss, BETA * commitment_loss)

if __name__ == "__main__":
    import jax
    _d = setup_inputs()
    print(jax.jit(kernel)(*tuple(_d.values())))

</pallas_src>

<mosaic_0001>
#map = affine_map<(d0, d1) -> (0, 0)>
#map1 = affine_map<(d0, d1) -> (0)>
module attributes {stable_mosaic.version = 14 : i64} {
  func.func @gather_kernel(%arg0: i32, %arg1: i32, %arg2: memref<8192x256xf32, #tpu.memory_space<hbm>>, %arg3: memref<8192xi32, #tpu.memory_space<hbm>>, %arg4: memref<8192x256xf32, #tpu.memory_space<hbm>>, %arg5: memref<256xi32, #tpu.memory_space<vmem>>, %arg6: memref<256x256xf32, #tpu.memory_space<vmem>>, %arg7: memref<!tpu.dma_semaphore, #tpu.memory_space<semaphore_mem>>) attributes {dimension_semantics = [#tpu.dimension_semantics<core_parallel>, #tpu.dimension_semantics<subcore_parallel>], iteration_bounds = array<i64: 2, 16>, scalar_prefetch = 0 : i64, scratch_operands = 3 : i64, tpu.core_type = #tpu.core_type<sc_vector_subcore>, window_params = [{transform_indices = #map}, {transform_indices = #map1}, {transform_indices = #map}]} {
    %mul3A = arith.constant 2 : i32
    %mul3A_0 = arith.muli %arg1, %mul3A : i32
    %add3A = arith.addi %mul3A_0, %arg0 : i32
    %mul3A_1 = arith.constant 256 : i32
    %mul3A_2 = arith.muli %add3A, %mul3A_1 : i32
    "tpu.region"() ({
      %run_scoped3A = tpu.sem_alloc : memref<!tpu.dma_semaphore, #tpu.memory_space<semaphore_mem>>
      %dma_start3A_7 = tpu.memref_slice %arg3[%mul3A_2] : memref<8192xi32, #tpu.memory_space<hbm>> -> memref<256xi32, #tpu.memory_space<hbm>>
      %dma_start3A_8 = tpu.memref_slice %arg3[%mul3A_2] : memref<8192xi32, #tpu.memory_space<hbm>> -> memref<256xi32, #tpu.memory_space<hbm>>
      tpu.enqueue_dma source(%dma_start3A_8 : memref<256xi32, #tpu.memory_space<hbm>>) target(%arg5 : memref<256xi32, #tpu.memory_space<vmem>>) target_semaphore(%run_scoped3A : memref<!tpu.dma_semaphore, #tpu.memory_space<semaphore_mem>>)
      %dma_wait3A_9 = tpu.memref_slice %arg3[%mul3A_2] : memref<8192xi32, #tpu.memory_space<hbm>> -> memref<256xi32, #tpu.memory_space<hbm>>
      %dma_wait3A_10 = tpu.memref_slice %arg3[%mul3A_2] : memref<8192xi32, #tpu.memory_space<hbm>> -> memref<256xi32, #tpu.memory_space<hbm>>
      tpu.wait_dma2 semaphore(%run_scoped3A : memref<!tpu.dma_semaphore, #tpu.memory_space<semaphore_mem>>) src(%dma_wait3A_10 : memref<256xi32, #tpu.memory_space<hbm>>) dst(%arg5 : memref<256xi32, #tpu.memory_space<vmem>>)
      tpu.yield
    }) : () -> ()
    %dma_start3A = arith.constant 0 : i32
    %dma_start3A_3 = arith.constant 0 : i32
    %dma_start3A_4 = tpu.memref_slice %arg2[%dma_start3A, %dma_start3A_3] : memref<8192x256xf32, #tpu.memory_space<hbm>> -> memref<8192x256xf32, #tpu.memory_space<hbm>>
    tpu.enqueue_indirect_dma source(%dma_start3A_4 : memref<8192x256xf32, #tpu.memory_space<hbm>>) target(%arg6 : memref<256x256xf32, #tpu.memory_space<vmem>>) offsets(%arg5 : memref<256xi32, #tpu.memory_space<vmem>>) semaphore(%arg7 : memref<!tpu.dma_semaphore, #tpu.memory_space<semaphore_mem>>)
    %dma_wait3A = arith.constant 0 : i32
    %dma_wait3A_5 = arith.constant 0 : i32
    %dma_wait3A_6 = tpu.memref_slice %arg2[%dma_wait3A, %dma_wait3A_5] : memref<8192x256xf32, #tpu.memory_space<hbm>> -> memref<8192x256xf32, #tpu.memory_space<hbm>>
    tpu.wait_indirect_dma semaphore(%arg7 : memref<!tpu.dma_semaphore, #tpu.memory_space<semaphore_mem>>) src(%dma_wait3A_6 : memref<8192x256xf32, #tpu.memory_space<hbm>>) dst(%arg6 : memref<256x256xf32, #tpu.memory_space<vmem>>)
    "tpu.region"() ({
      %run_scoped3A = tpu.sem_alloc : memref<!tpu.dma_semaphore, #tpu.memory_space<semaphore_mem>>
      %dma_start3A_7 = arith.constant 0 : i32
      %dma_start3A_8 = tpu.memref_slice %arg4[%mul3A_2, %dma_start3A_7] : memref<8192x256xf32, #tpu.memory_space<hbm>> -> memref<256x256xf32, #tpu.memory_space<hbm>>
      %dma_start3A_9 = arith.constant 0 : i32
      %dma_start3A_10 = tpu.memref_slice %arg4[%mul3A_2, %dma_start3A_9] : memref<8192x256xf32, #tpu.memory_space<hbm>> -> memref<256x256xf32, #tpu.memory_space<hbm>>
      tpu.enqueue_dma source(%arg6 : memref<256x256xf32, #tpu.memory_space<vmem>>) target(%dma_start3A_10 : memref<256x256xf32, #tpu.memory_space<hbm>>) target_semaphore(%run_scoped3A : memref<!tpu.dma_semaphore, #tpu.memory_space<semaphore_mem>>)
      %dma_wait3A_11 = arith.constant 0 : i32
      %dma_wait3A_12 = tpu.memref_slice %arg4[%mul3A_2, %dma_wait3A_11] : memref<8192x256xf32, #tpu.memory_space<hbm>> -> memref<256x256xf32, #tpu.memory_space<hbm>>
      %dma_wait3A_13 = arith.constant 0 : i32
      %dma_wait3A_14 = tpu.memref_slice %arg4[%mul3A_2, %dma_wait3A_13] : memref<8192x256xf32, #tpu.memory_space<hbm>> -> memref<256x256xf32, #tpu.memory_space<hbm>>
      tpu.wait_dma2 semaphore(%run_scoped3A : memref<!tpu.dma_semaphore, #tpu.memory_space<semaphore_mem>>) src(%arg6 : memref<256x256xf32, #tpu.memory_space<vmem>>) dst(%dma_wait3A_14 : memref<256x256xf32, #tpu.memory_space<hbm>>)
      tpu.yield
    }) : () -> ()
    return
  }
}

module attributes {stable_mosaic.version = 14 : i64} {
  func.func @_dist_argmin_kernel(%arg0: i32, %arg1: memref<512x256xf32, #tpu.memory_space<vmem>>, %arg2: memref<256x8192xbf16, #tpu.memory_space<vmem>>, %arg3: memref<1x8192xf32, #tpu.memory_space<vmem>>, %arg4: memref<512x1xi32, #tpu.memory_space<vmem>>, %arg5: memref<1x1xf32, #tpu.memory_space<vmem>>) attributes {dimension_semantics = [#tpu.dimension_semantics<arbitrary>], iteration_bounds = array<i64: 16>, scalar_prefetch = 0 : i64, scratch_operands = 0 : i64, tpu.core_type = #tpu.core_type<tc>, window_params = [{transform_indices = @transform_0, window_bounds = array<i64: 512, 256>}, {pipeline_mode = #tpu.pipeline_mode<synchronous>, transform_indices = @transform_1, window_bounds = array<i64: 256, 8192>}, {pipeline_mode = #tpu.pipeline_mode<synchronous>, transform_indices = @transform_2, window_bounds = array<i64: 1, 8192>}, {transform_indices = @transform_3, window_bounds = array<i64: 512, 1>}, {pipeline_mode = #tpu.pipeline_mode<synchronous>, transform_indices = @transform_4, window_bounds = array<i64: 1, 1>}]} {
    %get3A = arith.constant 0 : index
    %get3A_0 = arith.constant 0 : index
    %get3A_1 = vector.load %arg1[%get3A, %get3A_0] : memref<512x256xf32, #tpu.memory_space<vmem>>, vector<512x256xf32>
    %integer_pow3A = arith.mulf %get3A_1, %get3A_1 : vector<512x256xf32>
    %reduce_sum3A = arith.constant dense<0.000000e+00> : vector<512xf32>
    %reduce_sum3A_2 = vector.multi_reduction <add>, %integer_pow3A, %reduce_sum3A [1] : vector<512x256xf32> to vector<512xf32>
    %broadcast_in_dim3A = vector.shape_cast %reduce_sum3A_2 : vector<512xf32> to vector<512x1xf32>
    %convert_element_type3A = arith.truncf %get3A_1 : vector<512x256xf32> to vector<512x256xbf16>
    %get3A_3 = arith.constant 0 : index
    %get3A_4 = arith.constant 0 : index
    %get3A_5 = vector.load %arg2[%get3A_3, %get3A_4] : memref<256x8192xbf16, #tpu.memory_space<vmem>>, vector<256x8192xbf16>
    %dot_general3A = arith.constant dense<0.000000e+00> : vector<512x8192xf32>
    %dot_general3A_6 = tpu.matmul %convert_element_type3A, %get3A_5, %dot_general3A {dimension_numbers = #tpu.dot_dimension_numbers<[1], [0], [0], [1], [0, 0, 1, 1], [], []>, transpose_lhs_hint = false} : vector<512x256xbf16>, vector<256x8192xbf16>, vector<512x8192xf32> -> vector<512x8192xf32>
    %get3A_7 = arith.constant 0 : index
    %get3A_8 = arith.constant 0 : index
    %get3A_9 = vector.load %arg3[%get3A_7, %get3A_8] : memref<1x8192xf32, #tpu.memory_space<vmem>>, vector<1x8192xf32>
    %add3A = vector.broadcast %broadcast_in_dim3A : vector<512x1xf32> to vector<512x8192xf32>
    %add3A_10 = vector.broadcast %get3A_9 : vector<1x8192xf32> to vector<512x8192xf32>
    %add3A_11 = arith.addf %add3A, %add3A_10 : vector<512x8192xf32>
    %mul3A = arith.constant 2.000000e+00 : f32
    %mul3A_12 = vector.broadcast %mul3A : f32 to vector<512x8192xf32>
    %mul3A_13 = arith.mulf %mul3A_12, %dot_general3A_6 : vector<512x8192xf32>
    %sub3A = arith.subf %add3A_11, %mul3A_13 : vector<512x8192xf32>
    %reduce_min3A = arith.constant dense<0x7F800000> : vector<512xf32>
    %reduce_min3A_14 = vector.multi_reduction <minimumf>, %sub3A, %reduce_min3A [1] : vector<512x8192xf32> to vector<512xf32>
    %broadcast_in_dim3A_15 = vector.shape_cast %reduce_min3A_14 : vector<512xf32> to vector<512x1xf32>
    %iota3A = tpu.iota {dimensions = array<i32: 1>} : vector<512x8192xi32>
    %eq3A = vector.broadcast %broadcast_in_dim3A_15 : vector<512x1xf32> to vector<512x8192xf32>
    %eq3A_16 = arith.cmpf oeq, %sub3A, %eq3A : vector<512x8192xf32>
    %jit3A = arith.constant 8192 : i32
    %broadcast_in_dim3A_17 = vector.broadcast %jit3A : i32 to vector<512x8192xi32>
    %select_n3A = arith.select %eq3A_16, %iota3A, %broadcast_in_dim3A_17 : vector<512x8192xi1>, vector<512x8192xi32>
    %reduce_min3A_18 = arith.constant dense<2147483647> : vector<512xi32>
    %reduce_min3A_19 = vector.multi_reduction <minsi>, %select_n3A, %reduce_min3A_18 [1] : vector<512x8192xi32> to vector<512xi32>
    %broadcast_in_dim3A_20 = vector.shape_cast %reduce_min3A_19 : vector<512xi32> to vector<512x1xi32>
    %swap3A = arith.constant 0 : index
    %swap3A_21 = arith.constant 0 : index
    %swap3A_22 = vector.load %arg4[%swap3A, %swap3A_21] : memref<512x1xi32, #tpu.memory_space<vmem>>, vector<512x1xi32>
    tpu.vector_store %arg4[%swap3A, %swap3A_21], %broadcast_in_dim3A_20 {strides = array<i32>} : memref<512x1xi32, #tpu.memory_space<vmem>>, vector<512x1xi32>,
    %eq3A_23 = arith.constant 0 : i32
    %eq3A_24 = arith.cmpi eq, %arg0, %eq3A_23 : i32
    %convert_element_type3A_25 = arith.extui %eq3A_24 : i1 to i32
    %cond3A = arith.constant 0 : i32
    %cond3A_26 = arith.cmpi ne, %convert_element_type3A_25, %cond3A : i32
    scf.if %cond3A_26 {
      %broadcast_in_dim3A_39 = arith.constant 0.000000e+00 : f32
      %broadcast_in_dim3A_40 = vector.broadcast %broadcast_in_dim3A_39 : f32 to vector<1x1xf32>
      %swap3A_41 = arith.constant 0 : index
      %swap3A_42 = arith.constant 0 : index
      %swap3A_43 = vector.load %arg5[%swap3A_41, %swap3A_42] : memref<1x1xf32, #tpu.memory_space<vmem>>, vector<1x1xf32>
      tpu.vector_store %arg5[%swap3A_41, %swap3A_42], %broadcast_in_dim3A_40 {strides = array<i32>} : memref<1x1xf32, #tpu.memory_space<vmem>>, vector<1x1xf32>,
    } else {
    }
    %get3A_27 = arith.constant 0 : index
    %get3A_28 = arith.constant 0 : index
    %get3A_29 = vector.load %arg5[%get3A_27, %get3A_28] : memref<1x1xf32, #tpu.memory_space<vmem>>, vector<1x1xf32>
    %reduce_sum3A_30 = vector.shape_cast %broadcast_in_dim3A_15 : vector<512x1xf32> to vector<1x512x1xf32>
    %reduce_sum3A_31 = arith.constant dense<0.000000e+00> : vector<1xf32>
    %reduce_sum3A_32 = vector.multi_reduction <add>, %reduce_sum3A_30, %reduce_sum3A_31 [1, 2] : vector<1x512x1xf32> to vector<1xf32>
    %reduce_sum3A_33 = vector.shape_cast %reduce_sum3A_32 : vector<1xf32> to vector<1x1x1xf32>
    %reduce_sum3A_34 = vector.extract %reduce_sum3A_33[0, 0, 0] : f32 from vector<1x1x1xf32>
    %reshape3A = vector.broadcast %reduce_sum3A_34 : f32 to vector<1x1xf32>
    %add3A_35 = arith.addf %get3A_29, %reshape3A : vector<1x1xf32>
    %swap3A_36 = arith.constant 0 : index
    %swap3A_37 = arith.constant 0 : index
    %swap3A_38 = vector.load %arg5[%swap3A_36, %swap3A_37] : memref<1x1xf32, #tpu.memory_space<vmem>>, vector<1x1xf32>
    tpu.vector_store %arg5[%swap3A_36, %swap3A_37], %add3A_35 {strides = array<i32>} : memref<1x1xf32, #tpu.memory_space<vmem>>, vector<1x1xf32>,
    return
  }
  func.func @transform_0(%arg0: i32) -> (i32, i32) {
    %c0_i32 = arith.constant 0 : i32
    %c0_i32_0 = arith.constant 0 : i32
    return %arg0, %c0_i32 : i32, i32
  }
  func.func @transform_1(%arg0: i32) -> (i32, i32) {
    %c0_i32 = arith.constant 0 : i32
    %c0_i32_0 = arith.constant 0 : i32
    %c0_i32_1 = arith.constant 0 : i32
    return %c0_i32, %c0_i32_0 : i32, i32
  }
  func.func @transform_2(%arg0: i32) -> (i32, i32) {
    %c0_i32 = arith.constant 0 : i32
    %c0_i32_0 = arith.constant 0 : i32
    %c0_i32_1 = arith.constant 0 : i32
    return %c0_i32, %c0_i32_0 : i32, i32
  }
  func.func @transform_3(%arg0: i32) -> (i32, i32) {
    %c0_i32 = arith.constant 0 : i32
    %c0_i32_0 = arith.constant 0 : i32
    return %arg0, %c0_i32 : i32, i32
  }
  func.func @transform_4(%arg0: i32) -> (i32, i32) {
    %c0_i32 = arith.constant 0 : i32
    %c0_i32_0 = arith.constant 0 : i32
    %c0_i32_1 = arith.constant 0 : i32
    return %c0_i32, %c0_i32_0 : i32, i32
  }
}

</mosaic_0001>

<sc_bundles>
// kernel: kernel.4.cloned.1.call-start
scs
__scs_entry_jumppad:
0x0: {  	(pc) =	sbr.rel $0x88, $3  }
0x1: {  	(tag) =	ssettag $0x0;
	lr =	simm.s32 $0x1  }
0x2: {  	[smem:$0x3F9F] =	sst lr;
	_ =	strace $0xD0000000  }
0x3: {  	_ = 	snop  }
0x4: {  	_ = 	snop  }
0x5: {  	_ = 	snop  }
0x6: {  	_ = 	snop  }
0x7: {  	_ = 	snop  }
__scs_overlays_trampoline_lowered:
0x8: {  	[smem:$0x3FAE] =	sst s0  }
0x9: {  	[smem:$0x3FAF] =	sst s1  }
0xa: {  	[smem:$0x3FB0] =	sst s2  }
0xb: {  	[smem:$0x3FB1] =	sst s3  }
0xc: {  	[smem:$0x3FB2] =	sst s4  }
0xd: {  	[smem:$0x3FB3] =	sst s5  }
0xe: {  	[smem:$0x3FB4] =	sst s6  }
0xf: {  	[smem:$0x3FB5] =	sst s7  }
0x10: {  	[smem:$0x3FB6] =	sst s8  }
0x11: {  	[smem:$0x3FB7] =	sst s9;
	s0 =	simm.s32 @!p0 $0x0  }
0x12: {  	s1 =	sld [smem:$0x3F9D];
	s0 =	simm.s32 @p0 $0x1  }
0x13: {  	[smem:$0x3FB8] =	sst s0;
	s0 =	simm.s32 @!p1 $0x0  }
0x14: {  	s2 =	sld [smem:$0x3F9C];
	s0 =	simm.s32 @p1 $0x1  }
0x15: {  	[smem:$0x3FB9] =	sst s0;
	s0 =	simm.s32 @!p2 $0x0  }
0x16: {  	s3 =	sld [smem:$0x3FDB];
	s0 =	simm.s32 @p2 $0x1  }
0x17: {  	s4 =	simm.s32 $0x1BF5;
	[smem:$0x3FBB] =	sst s0  }
0x18: {  	s0 =	sld [smem:$0x3F9E];
	_ =	swait.ge [sflag:s4], $0x0  }
0x19: {  	s7 =	sld [smem:$0x3F9F]  }
0x1a: {  	s8 =	sadd.s32 $0xFFFFE003, lr  }
0x1b: {  	s9 =	sadd.s32 $0xFFFFFEF7, lr;
	s5 =	simm.s32 $0xFFFFFFFF;
	p2 =	slt.u32 s8, $0xFFFFF086  }
0x1c: {  	p1 =	slt.u32 s9, $0xF7A;
	s5 =	simm.s32 @!p2 $0x0  }
0x1d: {  	s5 =	simm.s32 @p1 $0x1;
	p0 =	seq.s32 s7, s2  }
0x1e: {  	s7 =	smul.u32 @!p0 $0xF7A, s2;
	p2 =	seq.s32 @!p0 s5, $0x0  }
0x1f: {  	s9 =	smul.u32 $0xF7A, s1;
	s8 =	simm.s32 @!p0 $0x1BF5;
	p2 =	por !p2, p0  }
0x20: {  	[sflag:s8] =	ssyncset.s32 @!p0 $0xFFFFF086;
	s6 =	sadd.s32 @!p0 s3, s7;
	s7 =	simm.s32 @!p0 $0x108  }
0x21: {  	s3 =	sadd.s32 s3, s9;
	s6 =	sadd.s32 @!p0 $0x88, s6;
	s7 =	simm.s32 @p2 $0x1082  }
0x22: {  	[simem:s7], [sflag:s8] =	dma.local @!p0 [hbm:s6], $0xF7A  }
0x23: {  	s9 =	sor.u32 $0xD0000000, s2;
	s6 =	simm.s32 $0x108;
	_ =	swait.ge @!p0 [sflag:s8], $0x0  }
0x24: {  	s3 =	sadd.s32 $0x88, s3;
	s6 =	simm.s32 @!p1 $0x1082;
	[sflag:s4] =	ssyncset.s32 $0xFFFFF086  }
0x25: {  	[simem:s6], [sflag:s4] =	dma.local [hbm:s3], $0xF7A  }
0x26: {  	[smem:$0x3F9F] =	sst s1;
	(tag) =	ssettag s2;
	_ =	strace s9  }
0x27: {  	s1 =	sld [smem:$0x3FAF]  }
0x28: {  	s2 =	sld [smem:$0x3FB0]  }
0x29: {  	s4 =	sld [smem:$0x3FB2]  }
0x2a: {  	p0 =	seq.s32 s5, $0x0;
	s5 =	sld [smem:$0x3FB3]  }
0x2b: {  	s6 =	sld [smem:$0x3FB4]  }
0x2c: {  	s7 =	sld [smem:$0x3FB5]  }
0x2d: {  	s3 =	simm.s32 $0x108;
	s8 =	sld [smem:$0x3FB6]  }
0x2e: {  	s3 =	simm.s32 @!p0 $0x1082;
	s9 =	sld [smem:$0x3FB7]  }
0x2f: {  	lr =	sadd.s32 s0, s3;
	s0 =	sld [smem:$0x3FAE]  }
0x30: {  	s3 =	sld [smem:$0x3FB1]  }
0x31: {  	[smem:$0x3FBA] =	sst s10  }
0x32: {  	s10 =	sld [smem:$0x3FB8];
	_ =	sdelay $0x3  }
0x33: {  	p0 =	seq.s32 s10, $0x1;
	s10 =	sld [smem:$0x3FBA];
	_ =	sdelay $0x3  }
0x34: {  	[smem:$0x3FBA] =	sst s10  }
0x35: {  	s10 =	sld [smem:$0x3FB9];
	_ =	sdelay $0x3  }
0x36: {  	p1 =	seq.s32 s10, $0x1;
	s10 =	sld [smem:$0x3FBA];
	_ =	sdelay $0x3  }
0x37: {  	[smem:$0x3FBA] =	sst s10  }
0x38: {  	s10 =	sld [smem:$0x3FBB]  }
0x39: {  	_ = 	snop;
	(pc) =	sbr.ind lr, $3  }
0x3a: {  	_ = 	snop  }
0x3b: {  	_ = 	snop  }
0x3c: {  	p2 =	seq.s32 s10, $0x1;
	s10 =	sld [smem:$0x3FBA]  }
0x3d: {  	_ =	shalt  }
0x3e: {  	_ =	shalt  }
0x3f: {  	_ =	shalt  }
0x40: {  	_ =	shalt  }
0x41: {  	_ =	shalt  }
0x42: {  	_ =	shalt  }
0x43: {  	_ =	shalt  }
0x44: {  	_ =	shalt  }
0x45: {  	_ =	shalt  }
0x46: {  	_ =	shalt  }
0x47: {  	_ =	shalt  }
0x48: {  	_ =	shalt  }
0x49: {  	_ =	shalt  }
0x4a: {  	_ =	shalt  }
0x4b: {  	_ =	shalt  }
0x4c: {  	_ =	shalt  }
0x4d: {  	_ =	shalt  }
0x4e: {  	_ =	shalt  }
0x4f: {  	_ =	shalt  }
0x50: {  	_ =	shalt  }
0x51: {  	_ =	shalt  }
0x52: {  	_ =	shalt  }
0x53: {  	_ =	shalt  }
0x54: {  	_ =	shalt  }
0x55: {  	_ =	shalt  }
0x56: {  	_ =	shalt  }
0x57: {  	_ =	shalt  }
0x58: {  	_ =	shalt  }
0x59: {  	_ =	shalt  }
0x5a: {  	_ =	shalt  }
0x5b: {  	_ =	shalt  }
0x5c: {  	_ =	shalt  }
0x5d: {  	_ =	shalt  }
0x5e: {  	_ =	shalt  }
0x5f: {  	_ =	shalt  }
0x60: {  	_ =	shalt  }
0x61: {  	_ =	shalt  }
0x62: {  	_ =	shalt  }
0x63: {  	_ =	shalt  }
0x64: {  	_ =	shalt  }
0x65: {  	_ =	shalt  }
0x66: {  	_ =	shalt  }
0x67: {  	_ =	shalt  }
0x68: {  	_ =	shalt  }
0x69: {  	_ =	shalt  }
0x6a: {  	_ =	shalt  }
0x6b: {  	_ =	shalt  }
0x6c: {  	_ =	shalt  }
0x6d: {  	_ =	shalt  }
0x6e: {  	_ =	shalt  }
0x6f: {  	_ =	shalt  }
0x70: {  	_ =	shalt  }
0x71: {  	_ =	shalt  }
0x72: {  	_ =	shalt  }
0x73: {  	_ =	shalt  }
0x74: {  	_ =	shalt  }
0x75: {  	_ =	shalt  }
0x76: {  	_ =	shalt  }
0x77: {  	_ =	shalt  }
0x78: {  	_ =	shalt  }
0x79: {  	_ =	shalt  }
0x7a: {  	_ =	shalt  }
0x7b: {  	_ =	shalt  }
0x7c: {  	_ =	shalt  }
0x7d: {  	_ =	shalt  }
0x7e: {  	_ =	shalt  }
0x7f: {  	_ =	shalt  }
0x80: {  	_ =	shalt  }
0x81: {  	_ =	shalt  }
0x82: {  	_ =	shalt  }
0x83: {  	_ =	shalt  }
0x84: {  	_ =	shalt  }
0x85: {  	_ =	shalt  }
0x86: {  	_ =	shalt  }
0x87: {  	_ =	shalt  }
.Lfunc_end0:
.L_simem_size_0:
called_computation_lowered:
.L_overlay_start_0:
0x88: {  	s2 =	sld [smem:$0x3FD9]  }
0x89: {  	s3 =	sld [smem:$0x3FFE];
	_ =	sdelay $0x1  }
0x8a: {  	s1 =	srdreg.scid  }
0x8b: {  	s0 =	sand.u32 $0x1, s1  }
0x8c: {  	s14 =	sshll.u32 s0, $0xA;
	s2 =	sadd.s32 s3, s2  }
0x8d: {  	s2 =	sadd.s32 s2, s14  }
0x8e: {  	[smem:$0x3FC6] =	sst s2  }
0x8f: {  	_ = 	snop  }
0x90: {  	s2 =	sld [smem:$0x3FD0];
	_ =	sdelay $0x2  }
0x91: {  	s4 =	simm.s32 $0xA;
	s5 =	simm.s32 $0x10;
	s15 =	sld [smem:$0x3FC8]  }
0x92: {  	[smem:s5], [sflag:s4] =	dma.local [hbm:s2], $0x1  }
0x93: {  	_ =	swait.eq [sflag:s4], $0x1  }
0x94: {  	[sflag:s4] =	ssyncset.done $0x0  }
0x95: {  	[sflag:s4] =	ssyncadd.s32 $0xFFFFFFFF  }
0x96: {  	s16 =	sld [smem:$0x10];
	(tm) =	ssettm $0x1  }
0x97: {  	s17 =	sld [smem:$0x3FFB];
	_ =	sdelay $0x3  }
0x98: {  	_ =	strace s17  }
0x99: {  	s4 =	sld [smem:$0x3FFC];
	_ =	sdelay $0x3  }
0x9a: {  	_ =	strace s4  }
0x9b: {  	s4 =	sld [smem:$0x3FFD];
	_ =	sdelay $0x3  }
0x9c: {  	_ =	strace s4  }
0x9d: {  	_ =	strace $0x8FFFFFFF  }
0x9e: {  	s18 =	sld [smem:$0x3FDB];
	_ =	sdelay $0x1  }
0x9f: {  	s19 =	simm.s32 $_scs_section_size  }
0xa0: {  	s6 =	simm.s32 $_size__tile_overlayer_lowered;
	s7 =	simm.s32 $_tile_overlayer_lowered  }
0xa1: {  	s22 =	simm.s32 $0x1BFF;
	s21 =	sshll.u32 s7, $0x1;
	s4 =	sadd.s32 s19, s18  }
0xa2: {  	s8 =	simm.s32 $0x0;
	s20 =	sshll.u32 s6, $0x1;
	s6 =	sadd.s32 s21, s4  }
0xa3: {  	[timem:s8], [sflag:s22] =	dma.local [hbm:s6], s20  }
0xa4: {  	_ =	swait.ge [sflag:s22], s20  }
0xa5: {  	s5 =	ssub.s32 $0x0, s20;
	[sflag:s22] =	ssyncset.done $0x0  }
0xa6: {  	[sflag:s22] =	ssyncadd.s32 s5;
	_ =	sdelay $0x1  }
0xa7: {  	s23 =	simm.s32 $0x1B8B  }
0xa8: {  	_ =	swait.ge [sflag:s23], $0x1  }
0xa9: {  	[sflag:s23] =	ssyncset.done $0x0  }
0xaa: {  	s25 =	simm.s32 $0x1B8E;
	s24 =	sld [smem:$0x3FFE];
	[sflag:s23] =	ssyncadd.s32 $0xFFFFFFFF  }
0xab: {  	s26 =	simm.s32 $execute0_lowered;
	[smem:$0x3FD2] =	sst s25  }
0xac: {  	s6 =	sshll.u32 s26, $0x1;
	_ =	strace $0x80000046;
	[dreg:$0x1] =	wrdreg $0xFFFFFFFF  }
0xad: {  	s28 =	simm.s32 $_size_execute0_lowered;
	s4 =	sadd.s32 s4, s6;
	[dreg:$0x0] =	wrdreg $0x0  }
0xae: {  	s6 =	sshll.u32 s28, $0x1;
	[dreg:$0x2] =	wrdreg s4  }
0xaf: {  	[dreg:$0x3] =	wrdreg s6  }
0xb0: {  	[dreg:$0x4] =	wrdreg $0xC0  }
0xb1: {  	_ =	task [dreg:s8], $0x5FFFF  }
0xb2: {  	[dreg:$0x1] =	wrdreg $0xFFFFFFFF  }
0xb3: {  	[dreg:$0x0] =	wrdreg $0x60  }
0xb4: {  	[dreg:$0x2] =	wrdreg s15  }
0xb5: {  	[dreg:$0x3] =	wrdreg s24  }
0xb6: {  	[dreg:$0x4] =	wrdreg s16  }
0xb7: {  	[dreg:$0x5] =	wrdreg $0x9  }
0xb8: {  	_ =	task.clear_ibuf [dreg:s8], $0x6FFFF;
	_ =	strace $0x90000046  }
0xb9: {  	s29 =	simm.s32 $0x9;
	_ =	strace $0x80000048  }
0xba: {  	_ =	swait.ge [sflag:s29], $0x1  }
0xbb: {  	[sflag:s29] =	ssyncadd.s32 $0xFFFFFFFF  }
0xbc: {  	_ =	strace $0x90000048  }
0xbd: {  	_ =	sfence  }
0xbe: {  	s30 =	sld [smem:$0x0];
	_ =	sdelay $0x2  }
0xbf: {  	s31 =	sshll.u32 s1, $0xD;
	s1 =	sshrl.u32 s1, $0x2  }
0xc0: {  	s3 =	sand.u32 $0x4000, s31;
	s1 =	sadd.s32 s1, s30  }
0xc1: {  	s0 =	sor.u32 s3, s0;
	s1 =	sshll.u32 s1, $0x11  }
0xc2: {  	s0 =	sor.u32 s1, s0  }
0xc3: {  	s0 =	sadd.s32 $0x8F2B, s0  }
0xc4: {  	[sflag:s0] =	ssyncadd.remote.s32 $0x1  }
0xc5: {  	_ =	sfence.sel $0xFFFF  }
0xc6: {  	[dreg:$0x0] =	wrdreg $0xFFFFFFFF;
	(pc) =	sbr.abs _section_cstart, $3  }
0xc7: {  	[dreg:$0x1] =	wrdreg $0xFFFFFFFF  }
0xc8: {  	_ =	task.clear_ibuf [dreg:s8], $0x2FFFF;
	_ =	strace $0x9FFFFFFF  }
0xc9: {  	(tm) =	ssettm $0x7FFFFFFF  }
tec
execute0_lowered:
.L_overlay_start_1:
0x0: {  	(tag) =	ssettag $0x1  }
0x1: {  	s1 =	rddreg [dreg:$0x0]  }
0x2: {  	s2 =	srdreg.scid;
	s4 =	rddreg [dreg:$0x1]  }
0x3: {  	s0 =	stileid.u32;
	s6 =	rddreg [dreg:$0x2];
	s19 =	simm.s32 $0x900  }
0x4: {  	s20 =	simm.s32 $0x1100;
	s21 =	simm.s32 $0x1900;
	s23 =	simm.s32 $0x2100  }
0x5: {  	s24 =	simm.s32 $0x2900;
	s25 =	simm.s32 $0x3100;
	s26 =	simm.s32 $0x3900  }
0x6: {  	s8 =	simm.s32 $0x4900;
	s9 =	simm.s32 $0x5100;
	s10 =	simm.s32 $0x5900  }
0x7: {  	s11 =	simm.s32 $0x6100;
	s12 =	simm.s32 $0x6900;
	s13 =	simm.s32 $0x7100  }
0x8: {  	s14 =	simm.s32 $0x7900;
	s15 =	simm.s32 $0x8100;
	s2 =	sand.u32 $0x1, s2  }
0x9: {  	s16 =	simm.s32 $0x8900;
	s3 =	sshll.u32 s0, $0x9;
	s5 =	sshll.u32 s2, $0x8  }
0xa: {  	s17 =	simm.s32 $0x9100;
	s5 =	sor.u32 s5, s3;
	s3 =	simm.s32 $0x0  }
0xb: {  	s28 =	simm.s32 $0xE100;
	s29 =	simm.s32 $0xE900;
	[smem:$0x7FF] =	sst s3  }
0xc: {  	s30 =	simm.s32 $0xF100;
	_ =	strace $0x80000047;
	[dreg:$0x6] =	wrdreg s19  }
0xd: {  	s31 =	simm.s32 $0xF900;
	s2 =	ssub.s32 $0x2, s2;
	[dreg:$0x7] =	wrdreg s20  }
0xe: {  	s22 =	sshrl.u32 s2, $0x1;
	s7 =	sshrl.u32 s5, $0x3;
	[dreg:$0x8] =	wrdreg s21  }
0xf: {  	s5 =	sshll.u32 s5, $0x5;
	s2 =	ssub.s32 s2, s22;
	[dreg:$0x9] =	wrdreg s23  }
0x10: {  	s22 =	simm.s32 $0xB900;
	s4 =	sadd.s32 s7, s4;
	[dreg:$0xa] =	wrdreg s24  }
0x11: {  	s18 =	sadd.s32 s6, s5;
	s5 =	simm.s32 $0x2;
	[dreg:$0xb] =	wrdreg s25  }
0x12: {  	s6 =	simm.s32 $0x100;
	[dreg:$0xc] =	wrdreg s26;
	s19 =	simm.s32 $0xA100  }
0x13: {  	s20 =	simm.s32 $0xA900;
	s21 =	simm.s32 $0xB100;
	s23 =	simm.s32 $0xC100  }
0x14: {  	v2 =	vlaneseq.u32;
	s24 =	simm.s32 $0xC900;
	s25 =	simm.s32 $0xD100;
	s26 =	simm.s32 $0xD900  }
0x15: {  	vm0 =	vmmov $0xffff;
	v1 =	vshrl.u32 v2, $0x3;
	s4 =	sadd.s32 $0x600, s4;
	[dreg:$0x5] =	wrdreg s18;
	s18 =	simm.s32 $0x9900  }
0x16: {  	v0 =	vand.u32 $0x7, v2;
	v2 =	vor.u32 $0x8, v2;
	v1 =	vmul.u32 $0x8, v1;
	[dreg:$0x4] =	wrdreg s4;
	s4 =	smax.u32 s2, $0x1;
	s2 =	simm.s32 $0x1  }
.LBB2_1:
0x17: {  	s0 =	rddreg [dreg:$0x4]  }
0x18: {  	[tilespmem:s3], [sflag:$0x2] =	stream.linear.gather [hbm4b:s0+s3], $0x100, $0x38;
	[tilespmem:$0x10100] =	vst v63  }
0x19: {  	_ =	swait.ge [sflag:s5], $0x100  }
0x1a: {  	[sflag:s5] =	ssyncset.done $0x0  }
0x1b: {  	[sflag:s5] =	ssyncadd.s32 $0xFFFFFF00  }
0x1c: {  	v3 =	vld [tilespmem:$0x0];
	_ =	sdelay $0x4  }
0x1d: {  	v4 =	vshll.u32 v3, $0x1  }
0x1e: {  	v3 =	vand.u32 $0x7, v3;
	v4 =	vand.u32 $0xFFFFFFF0, v4  }
0x1f: {  	v3 =	vor.u32 v3, v4  }
0x20: {  	v4 =	vperm.xlane v3, v0;
	_ =	sdelay $0x1  }
0x21: {  	v3 =	vperm.xlane v3, v2;
	v4 =	vadd.s32 v1, v4;
	_ =	sdelay $0x1  }
0x22: {  	v3 =	vadd.s32 v1, v3;
	_ =	sdelay $0x2  }
0x23: {  	[tilespmem:s6], [sflag:$0x1] =	stream.indirect_vreg.gather [hbm4b:s1+s3], $0x80, v4, vm0, $0xb8;
	[tilespmem:$0x10100] =	vst v63  }
0x24: {  	s7 =	rddreg [dreg:$0x6]  }
0x25: {  	[tilespmem:s7], [sflag:$0x1] =	stream.indirect_vreg.gather [hbm4b:s1+s3], $0x80, v3, vm0, $0xb8;
	[tilespmem:$0x10100] =	vst v63  }
0x26: {  	v3 =	vld [tilespmem:$0x10];
	_ =	sdelay $0x4  }
0x27: {  	v49 =	vshll.u32 v3, $0x1  }
0x28: {  	v3 =	vand.u32 $0x7, v3;
	v4 =	vand.u32 $0xFFFFFFF0, v49  }
0x29: {  	v3 =	vor.u32 v3, v4  }
0x2a: {  	v4 =	vperm.xlane v3, v0;
	_ =	sdelay $0x1  }
0x2b: {  	v3 =	vperm.xlane v3, v2;
	v4 =	vadd.s32 v1, v4;
	_ =	sdelay $0x1  }
0x2c: {  	v3 =	vadd.s32 v1, v3;
	_ =	sdelay $0x1  }
0x2d: {  	s0 =	rddreg [dreg:$0x7]  }
0x2e: {  	[tilespmem:s0], [sflag:$0x1] =	stream.indirect_vreg.gather [hbm4b:s1+s3], $0x80, v4, vm0, $0xb8;
	[tilespmem:$0x10100] =	vst v63  }
0x2f: {  	s7 =	rddreg [dreg:$0x8]  }
0x30: {  	[tilespmem:s7], [sflag:$0x1] =	stream.indirect_vreg.gather [hbm4b:s1+s3], $0x80, v3, vm0, $0xb8;
	[tilespmem:$0x10100] =	vst v63  }
0x31: {  	v3 =	vld [tilespmem:$0x20];
	_ =	sdelay $0x4  }
0x32: {  	v50 =	vshll.u32 v3, $0x1  }
0x33: {  	v3 =	vand.u32 $0x7, v3;
	v4 =	vand.u32 $0xFFFFFFF0, v50  }
0x34: {  	v3 =	vor.u32 v3, v4  }
0x35: {  	v4 =	vperm.xlane v3, v0;
	_ =	sdelay $0x1  }
0x36: {  	v3 =	vperm.xlane v3, v2;
	v4 =	vadd.s32 v1, v4;
	_ =	sdelay $0x1  }
0x37: {  	v3 =	vadd.s32 v1, v3;
	_ =	sdelay $0x1  }
0x38: {  	s0 =	rddreg [dreg:$0x9]  }
0x39: {  	[tilespmem:s0], [sflag:$0x1] =	stream.indirect_vreg.gather [hbm4b:s1+s3], $0x80, v4, vm0, $0xb8;
	[tilespmem:$0x10100] =	vst v63  }
0x3a: {  	s7 =	rddreg [dreg:$0xa]  }
0x3b: {  	[tilespmem:s7], [sflag:$0x1] =	stream.indirect_vreg.gather [hbm4b:s1+s3], $0x80, v3, vm0, $0xb8;
	[tilespmem:$0x10100] =	vst v63  }
0x3c: {  	v3 =	vld [tilespmem:$0x30];
	_ =	sdelay $0x4  }
0x3d: {  	v51 =	vshll.u32 v3, $0x1  }
0x3e: {  	v3 =	vand.u32 $0x7, v3;
	v4 =	vand.u32 $0xFFFFFFF0, v51  }
0x3f: {  	v3 =	vor.u32 v3, v4  }
0x40: {  	v4 =	vperm.xlane v3, v0;
	_ =	sdelay $0x1  }
0x41: {  	v3 =	vperm.xlane v3, v2;
	v4 =	vadd.s32 v1, v4;
	_ =	sdelay $0x1  }
0x42: {  	v3 =	vadd.s32 v1, v3;
	_ =	sdelay $0x1  }
0x43: {  	s0 =	rddreg [dreg:$0xb]  }
0x44: {  	[tilespmem:s0], [sflag:$0x1] =	stream.indirect_vreg.gather [hbm4b:s1+s3], $0x80, v4, vm0, $0xb8;
	[tilespmem:$0x10100] =	vst v63  }
0x45: {  	s7 =	rddreg [dreg:$0xc]  }
0x46: {  	[tilespmem:s7], [sflag:$0x1] =	stream.indirect_vreg.gather [hbm4b:s1+s3], $0x80, v3, vm0, $0xb8;
	[tilespmem:$0x10100] =	vst v63  }
0x47: {  	v3 =	vld [tilespmem:$0x40];
	_ =	sdelay $0x4  }
0x48: {  	v52 =	vshll.u32 v3, $0x1  }
0x49: {  	v3 =	vand.u32 $0x7, v3;
	v4 =	vand.u32 $0xFFFFFFF0, v52  }
0x4a: {  	v3 =	vor.u32 v3, v4  }
0x4b: {  	v4 =	vperm.xlane v3, v0;
	_ =	sdelay $0x1  }
0x4c: {  	v3 =	vperm.xlane v3, v2;
	v4 =	vadd.s32 v1, v4;
	_ =	sdelay $0x1  }
0x4d: {  	v3 =	vadd.s32 v1, v3;
	_ =	sdelay $0x1  }
0x4e: {  	s7 =	simm.s32 $0x4100  }
0x4f: {  	[tilespmem:s7], [sflag:$0x1] =	stream.indirect_vreg.gather [hbm4b:s1+s3], $0x80, v4, vm0, $0xb8;
	[tilespmem:$0x10100] =	vst v63  }
0x50: {  	_ = 	snop  }
0x51: {  	[tilespmem:s8], [sflag:$0x1] =	stream.indirect_vreg.gather [hbm4b:s1+s3], $0x80, v3, vm0, $0xb8;
	[tilespmem:$0x10100] =	vst v63  }
0x52: {  	v3 =	vld [tilespmem:$0x50];
	_ =	sdelay $0x4  }
0x53: {  	v53 =	vshll.u32 v3, $0x1  }
0x54: {  	v3 =	vand.u32 $0x7, v3;
	v4 =	vand.u32 $0xFFFFFFF0, v53  }
0x55: {  	v3 =	vor.u32 v3, v4  }
0x56: {  	v4 =	vperm.xlane v3, v0;
	_ =	sdelay $0x1  }
0x57: {  	v3 =	vperm.xlane v3, v2;
	v4 =	vadd.s32 v1, v4;
	_ =	sdelay $0x1  }
0x58: {  	v3 =	vadd.s32 v1, v3;
	_ =	sdelay $0x2  }
0x59: {  	[tilespmem:s9], [sflag:$0x1] =	stream.indirect_vreg.gather [hbm4b:s1+s3], $0x80, v4, vm0, $0xb8;
	[tilespmem:$0x10100] =	vst v63  }
0x5a: {  	_ = 	snop  }
0x5b: {  	[tilespmem:s10], [sflag:$0x1] =	stream.indirect_vreg.gather [hbm4b:s1+s3], $0x80, v3, vm0, $0xb8;
	[tilespmem:$0x10100] =	vst v63  }
0x5c: {  	v3 =	vld [tilespmem:$0x60];
	_ =	sdelay $0x4  }
0x5d: {  	v54 =	vshll.u32 v3, $0x1  }
0x5e: {  	v3 =	vand.u32 $0x7, v3;
	v4 =	vand.u32 $0xFFFFFFF0, v54  }
0x5f: {  	v3 =	vor.u32 v3, v4  }
0x60: {  	v4 =	vperm.xlane v3, v0;
	_ =	sdelay $0x1  }
0x61: {  	v3 =	vperm.xlane v3, v2;
	v4 =	vadd.s32 v1, v4;
	_ =	sdelay $0x1  }
0x62: {  	v3 =	vadd.s32 v1, v3;
	_ =	sdelay $0x2  }
0x63: {  	[tilespmem:s11], [sflag:$0x1] =	stream.indirect_vreg.gather [hbm4b:s1+s3], $0x80, v4, vm0, $0xb8;
	[tilespmem:$0x10100] =	vst v63  }
0x64: {  	_ = 	snop  }
0x65: {  	[tilespmem:s12], [sflag:$0x1] =	stream.indirect_vreg.gather [hbm4b:s1+s3], $0x80, v3, vm0, $0xb8;
	[tilespmem:$0x10100] =	vst v63  }
0x66: {  	v3 =	vld [tilespmem:$0x70];
	_ =	sdelay $0x4  }
0x67: {  	v55 =	vshll.u32 v3, $0x1  }
0x68: {  	v3 =	vand.u32 $0x7, v3;
	v4 =	vand.u32 $0xFFFFFFF0, v55  }
0x69: {  	v3 =	vor.u32 v3, v4  }
0x6a: {  	v4 =	vperm.xlane v3, v0;
	_ =	sdelay $0x1  }
0x6b: {  	v3 =	vperm.xlane v3, v2;
	v4 =	vadd.s32 v1, v4;
	_ =	sdelay $0x1  }
0x6c: {  	v3 =	vadd.s32 v1, v3;
	_ =	sdelay $0x2  }
0x6d: {  	[tilespmem:s13], [sflag:$0x1] =	stream.indirect_vreg.gather [hbm4b:s1+s3], $0x80, v4, vm0, $0xb8;
	[tilespmem:$0x10100] =	vst v63  }
0x6e: {  	_ = 	snop  }
0x6f: {  	[tilespmem:s14], [sflag:$0x1] =	stream.indirect_vreg.gather [hbm4b:s1+s3], $0x80, v3, vm0, $0xb8;
	[tilespmem:$0x10100] =	vst v63  }
0x70: {  	v3 =	vld [tilespmem:$0x80];
	_ =	sdelay $0x4  }
0x71: {  	v56 =	vshll.u32 v3, $0x1  }
0x72: {  	v3 =	vand.u32 $0x7, v3;
	v4 =	vand.u32 $0xFFFFFFF0, v56  }
0x73: {  	v3 =	vor.u32 v3, v4  }
0x74: {  	v4 =	vperm.xlane v3, v0;
	_ =	sdelay $0x1  }
0x75: {  	v3 =	vperm.xlane v3, v2;
	v4 =	vadd.s32 v1, v4;
	_ =	sdelay $0x1  }
0x76: {  	v3 =	vadd.s32 v1, v3;
	_ =	sdelay $0x2  }
0x77: {  	[tilespmem:s15], [sflag:$0x1] =	stream.indirect_vreg.gather [hbm4b:s1+s3], $0x80, v4, vm0, $0xb8;
	[tilespmem:$0x10100] =	vst v63  }
0x78: {  	_ = 	snop  }
0x79: {  	[tilespmem:s16], [sflag:$0x1] =	stream.indirect_vreg.gather [hbm4b:s1+s3], $0x80, v3, vm0, $0xb8;
	[tilespmem:$0x10100] =	vst v63  }
0x7a: {  	v3 =	vld [tilespmem:$0x90];
	_ =	sdelay $0x4  }
0x7b: {  	v57 =	vshll.u32 v3, $0x1  }
0x7c: {  	v3 =	vand.u32 $0x7, v3;
	v4 =	vand.u32 $0xFFFFFFF0, v57  }
0x7d: {  	v3 =	vor.u32 v3, v4  }
0x7e: {  	v4 =	vperm.xlane v3, v0;
	_ =	sdelay $0x1  }
0x7f: {  	v3 =	vperm.xlane v3, v2;
	v4 =	vadd.s32 v1, v4;
	_ =	sdelay $0x1  }
0x80: {  	v3 =	vadd.s32 v1, v3;
	_ =	sdelay $0x2  }
0x81: {  	[tilespmem:s17], [sflag:$0x1] =	stream.indirect_vreg.gather [hbm4b:s1+s3], $0x80, v4, vm0, $0xb8;
	[tilespmem:$0x10100] =	vst v63  }
0x82: {  	_ = 	snop  }
0x83: {  	[tilespmem:s18], [sflag:$0x1] =	stream.indirect_vreg.gather [hbm4b:s1+s3], $0x80, v3, vm0, $0xb8;
	[tilespmem:$0x10100] =	vst v63  }
0x84: {  	v3 =	vld [tilespmem:$0xA0];
	_ =	sdelay $0x4  }
0x85: {  	v58 =	vshll.u32 v3, $0x1  }
0x86: {  	v3 =	vand.u32 $0x7, v3;
	v4 =	vand.u32 $0xFFFFFFF0, v58  }
0x87: {  	v3 =	vor.u32 v3, v4  }
0x88: {  	v4 =	vperm.xlane v3, v0;
	_ =	sdelay $0x1  }
0x89: {  	v3 =	vperm.xlane v3, v2;
	v4 =	vadd.s32 v1, v4;
	_ =	sdelay $0x1  }
0x8a: {  	v3 =	vadd.s32 v1, v3;
	_ =	sdelay $0x2  }
0x8b: {  	[tilespmem:s19], [sflag:$0x1] =	stream.indirect_vreg.gather [hbm4b:s1+s3], $0x80, v4, vm0, $0xb8;
	[tilespmem:$0x10100] =	vst v63  }
0x8c: {  	_ = 	snop  }
0x8d: {  	[tilespmem:s20], [sflag:$0x1] =	stream.indirect_vreg.gather [hbm4b:s1+s3], $0x80, v3, vm0, $0xb8;
	[tilespmem:$0x10100] =	vst v63  }
0x8e: {  	v3 =	vld [tilespmem:$0xB0];
	_ =	sdelay $0x4  }
0x8f: {  	v59 =	vshll.u32 v3, $0x1  }
0x90: {  	v3 =	vand.u32 $0x7, v3;
	v4 =	vand.u32 $0xFFFFFFF0, v59  }
0x91: {  	v3 =	vor.u32 v3, v4  }
0x92: {  	v4 =	vperm.xlane v3, v0;
	_ =	sdelay $0x1  }
0x93: {  	v3 =	vperm.xlane v3, v2;
	v4 =	vadd.s32 v1, v4;
	_ =	sdelay $0x1  }
0x94: {  	v3 =	vadd.s32 v1, v3;
	_ =	sdelay $0x2  }
0x95: {  	[tilespmem:s21], [sflag:$0x1] =	stream.indirect_vreg.gather [hbm4b:s1+s3], $0x80, v4, vm0, $0xb8;
	[tilespmem:$0x10100] =	vst v63  }
0x96: {  	_ = 	snop  }
0x97: {  	[tilespmem:s22], [sflag:$0x1] =	stream.indirect_vreg.gather [hbm4b:s1+s3], $0x80, v3, vm0, $0xb8;
	[tilespmem:$0x10100] =	vst v63  }
0x98: {  	v3 =	vld [tilespmem:$0xC0];
	_ =	sdelay $0x4  }
0x99: {  	v60 =	vshll.u32 v3, $0x1  }
0x9a: {  	v3 =	vand.u32 $0x7, v3;
	v4 =	vand.u32 $0xFFFFFFF0, v60  }
0x9b: {  	v3 =	vor.u32 v3, v4  }
0x9c: {  	v4 =	vperm.xlane v3, v0;
	_ =	sdelay $0x1  }
0x9d: {  	v3 =	vperm.xlane v3, v2;
	v4 =	vadd.s32 v1, v4;
	_ =	sdelay $0x1  }
0x9e: {  	v3 =	vadd.s32 v1, v3;
	_ =	sdelay $0x2  }
0x9f: {  	[tilespmem:s23], [sflag:$0x1] =	stream.indirect_vreg.gather [hbm4b:s1+s3], $0x80, v4, vm0, $0xb8;
	[tilespmem:$0x10100] =	vst v63  }
0xa0: {  	_ = 	snop  }
0xa1: {  	[tilespmem:s24], [sflag:$0x1] =	stream.indirect_vreg.gather [hbm4b:s1+s3], $0x80, v3, vm0, $0xb8;
	[tilespmem:$0x10100] =	vst v63  }
0xa2: {  	v3 =	vld [tilespmem:$0xD0];
	_ =	sdelay $0x4  }
0xa3: {  	v61 =	vshll.u32 v3, $0x1  }
0xa4: {  	v3 =	vand.u32 $0x7, v3;
	v4 =	vand.u32 $0xFFFFFFF0, v61  }
0xa5: {  	v3 =	vor.u32 v3, v4  }
0xa6: {  	v4 =	vperm.xlane v3, v0;
	_ =	sdelay $0x1  }
0xa7: {  	v3 =	vperm.xlane v3, v2;
	v4 =	vadd.s32 v1, v4;
	_ =	sdelay $0x1  }
0xa8: {  	v3 =	vadd.s32 v1, v3;
	_ =	sdelay $0x2  }
0xa9: {  	[tilespmem:s25], [sflag:$0x1] =	stream.indirect_vreg.gather [hbm4b:s1+s3], $0x80, v4, vm0, $0xb8;
	[tilespmem:$0x10100] =	vst v63  }
0xaa: {  	_ = 	snop  }
0xab: {  	[tilespmem:s26], [sflag:$0x1] =	stream.indirect_vreg.gather [hbm4b:s1+s3], $0x80, v3, vm0, $0xb8;
	[tilespmem:$0x10100] =	vst v63  }
0xac: {  	v3 =	vld [tilespmem:$0xE0];
	_ =	sdelay $0x4  }
0xad: {  	v62 =	vshll.u32 v3, $0x1  }
0xae: {  	v3 =	vand.u32 $0x7, v3;
	v4 =	vand.u32 $0xFFFFFFF0, v62  }
0xaf: {  	v3 =	vor.u32 v3, v4  }
0xb0: {  	v4 =	vperm.xlane v3, v0;
	_ =	sdelay $0x1  }
0xb1: {  	v3 =	vperm.xlane v3, v2;
	v4 =	vadd.s32 v1, v4;
	_ =	sdelay $0x1  }
0xb2: {  	v3 =	vadd.s32 v1, v3;
	_ =	sdelay $0x2  }
0xb3: {  	[tilespmem:s28], [sflag:$0x1] =	stream.indirect_vreg.gather [hbm4b:s1+s3], $0x80, v4, vm0, $0xb8;
	[tilespmem:$0x10100] =	vst v63  }
0xb4: {  	_ = 	snop  }
0xb5: {  	[tilespmem:s29], [sflag:$0x1] =	stream.indirect_vreg.gather [hbm4b:s1+s3], $0x80, v3, vm0, $0xb8;
	[tilespmem:$0x10100] =	vst v63  }
0xb6: {  	v3 =	vld [tilespmem:$0xF0];
	_ =	sdelay $0x4  }
0xb7: {  	v63 =	vshll.u32 v3, $0x1  }
0xb8: {  	v3 =	vand.u32 $0x7, v3;
	v4 =	vand.u32 $0xFFFFFFF0, v63  }
0xb9: {  	v3 =	vor.u32 v3, v4  }
0xba: {  	v4 =	vperm.xlane v3, v0;
	_ =	sdelay $0x1  }
0xbb: {  	v3 =	vperm.xlane v3, v2;
	v4 =	vadd.s32 v1, v4;
	_ =	sdelay $0x1  }
0xbc: {  	v3 =	vadd.s32 v1, v3;
	_ =	sdelay $0x2  }
0xbd: {  	[tilespmem:s30], [sflag:$0x1] =	stream.indirect_vreg.gather [hbm4b:s1+s3], $0x80, v4, vm0, $0xb8;
	[tilespmem:$0x10100] =	vst v63  }
0xbe: {  	_ = 	snop  }
0xbf: {  	[tilespmem:s31], [sflag:$0x1] =	stream.indirect_vreg.gather [hbm4b:s1+s3], $0x80, v3, vm0, $0xb8;
	[tilespmem:$0x10100] =	vst v63  }
0xc0: {  	_ =	swait.ge [sflag:s2], $0x10000  }
0xc1: {  	p0 =	sne.s32 s4, $0x1;
	[sflag:s2] =	ssyncset.done $0x0  }
.Ltmp0:
0xc2: {  	s7 =	rddreg [dreg:$0x5];
	[sflag:s2] =	ssyncadd.s32 $0xFFFF0000;
	(pc) =	sbr.rel @p0 .LBB2_1-.Ltmp0, $4  }
0xc3: {  	[hbm4b:s7+s3] =	stream.linear.scatter [tilespmem:s6], [sflag:$0x2], $0x10000, $0x38;
	[tilespmem:$0x10100] =	vst v63  }
0xc4: {  	_ =	swait.ge [sflag:s5], $0x10000  }
0xc5: {  	[sflag:s5] =	ssyncset.done $0x0  }
0xc6: {  	s4 =	sadd.s32 $0xFFFFFFFF, s4;
	[sflag:s5] =	ssyncadd.s32 $0xFFFF0000  }
0xc7: {  	_ =	sfence.sel $0x180000  }
0xc8: {  	[bflag:$0x0] =	sbarrier.arrive $0xFFFF  }
0xc9: {  	_ =	strace $0x90000047  }
0xca: {  	s0 =	stileid.u32;
	[bflag:$0x2] =	sbarrier.arrive $0xFFFF  }
0xcb: {  	p0 =	sne.s32 s0, $0x0;
	s0 =	rddreg [dreg:$0x3]  }
0xcc: {  	s0 =	sadd.s32 @!p0 $0x100000, s0  }
0xcd: {  	[sflag:s0] =	ssyncadd.tile.s32 @!p0 $0x1;
	_ =	shalt  }
.Lfunc_end2:
_tile_overlayer_lowered:
.L_overlay_start_2:
0xce: {  	(tag) =	ssettag $0x2  }
0xcf: {  	s0 =	rddreg [dreg:$0x0];
	s2 =	stileid.u32  }
0xd0: {  	s1 =	rddreg [dreg:$0x1];
	p0 =	sne.s32 s2, $0x0  }
0xd1: {  	s3 =	rddreg [dreg:$0x2];
	[bflag:$0x3] =	sbarrier.arrive $0xFFFF;
	s2 =	simm.s32 @!p0 $0x1C02  }
0xd2: {  	[timem:s3], [sflag:s2] =	dma.local @!p0 [hbm:s0], s1  }
0xd3: {  	s0 =	simm.s32 @!p0 $0x2  }
0xd4: {  	_ =	swait.ge @!p0 [sflag:s0], s1  }
0xd5: {  	s1 =	ssub.s32 @!p0 $0x0, s1;
	[sflag:s0] =	ssyncset.done @!p0 $0x0  }
0xd6: {  	[sflag:s0] =	ssyncadd.s32 @!p0 s1  }
0xd7: {  	[bflag:$0x3] =	sbarrier.arrive $0xFFFF  }
0xd8: {  	_ =	shalt  }

</sc_bundles>
